<compile_context>
chip_gen: v7x
topology: tpu7x:2x2x1
jax: 0.10.2.dev20260603
libtpu: 0.0.44.dev20260713+nightly
codegen_flags: <defaults>
</compile_context>

<pallas_src>
import jax
import jax.numpy as jnp
from jax import lax
from jax.experimental import pallas as pl
from jax.experimental.pallas import tpu as pltpu
from jax.experimental.pallas import tpu_sc as plsc

N_EMB = 8192
DIM = 32
ROWS = 8 * 1024
BLK = 1024
N_BLK = ROWS // BLK

N_WORKERS = 32
B_PER_W = ROWS // N_WORKERS


CHUNK = 2048
N_CHUNK = N_EMB // CHUNK

IDX_CHUNK = 128
CHUNKS_PER_W = B_PER_W // IDX_CHUNK
PAD_D = 128


def _dist_argmin_body(z_ref, w_ref, zn_ref, wn_ref, idx_ref, sse_ref, wpad_ref):
    zb = z_ref[...].astype(jnp.bfloat16)
    w = w_ref[...]
    a = zn_ref[...]
    b = wn_ref[...]
    m2 = lax.dot_general(zb, w * (-2.0), (((1,), (1,)), ((), ())),
                         preferred_element_type=jnp.float32)
    d = (a + b) + m2

    col = lax.broadcasted_iota(jnp.int32, (BLK, CHUNK), 1).astype(jnp.float32)
    acc_v = None
    for k in range(N_CHUNK):
        dk = d[:, k * CHUNK:(k + 1) * CHUNK]
        cmin = jnp.min(dk, axis=1)
        ci = jnp.min(jnp.where(dk == cmin[:, None], col, float(N_EMB)),
                     axis=1) + float(k * CHUNK)
        if acc_v is None:
            acc_v = cmin.astype(jnp.bfloat16).astype(jnp.float32)
            acc_i = ci
            acc_e = cmin
        else:
            better = cmin < acc_v
            acc_v = jnp.where(better, cmin.astype(jnp.bfloat16).astype(jnp.float32), acc_v)
            acc_i = jnp.where(better, ci, acc_i)
            acc_e = jnp.where(better, cmin, acc_e)
    idx_ref[...] = acc_i.astype(jnp.int32).reshape(BLK // 128, 128)

    @pl.when(pl.program_id(0) == 0)
    def _():
        sse_ref[...] = jnp.zeros_like(sse_ref)

    ws = w_ref[pl.ds(pl.program_id(0) * (N_EMB // N_BLK), N_EMB // N_BLK), :]
    wpad_ref[...] = jnp.pad(ws, ((0, 0), (0, PAD_D - DIM)))

    sse_ref[...] += jnp.sum(acc_e) * (1.25 / float(ROWS * DIM))


def _sc_gather_st_body(table_hbm, idx_hbm, z_hbm, out_hbm,
                       idx_v, rows_v, z_v, st_v, sem):
    wid = lax.axis_index("s") * 2 + lax.axis_index("c")
    base = wid * B_PER_W
    pltpu.sync_copy(idx_hbm.at[pl.ds(wid * CHUNKS_PER_W, CHUNKS_PER_W)], idx_v)
    copies = [
        pltpu.async_copy(table_hbm.at[idx_v.at[j]],
                         rows_v.at[pl.ds(j * IDX_CHUNK, IDX_CHUNK)], sem)
        for j in range(CHUNKS_PER_W)
    ]
    pltpu.sync_copy(z_hbm.at[pl.ds(base, B_PER_W)], z_v)
    for c in copies:
        c.wait()

    def body(r4, carry):
        for u in range(4):
            r = r4 * 4 + u
            for c in (0, 16):
                v = rows_v[r, pl.ds(c, 16)]
                zz = z_v[r, pl.ds(c, 16)]
                st_v[r, pl.ds(c, 16)] = zz + (v - zz)
        return carry

    lax.fori_loop(0, B_PER_W // 4, body, 0)
    pltpu.sync_copy(st_v, out_hbm.at[pl.ds(base, B_PER_W)])


def kernel(z, embedding_weight):
    z_flat = z.reshape(ROWS, DIM)
    zn = jnp.sum(z_flat ** 2, axis=1, keepdims=True)
    wn = jnp.sum(embedding_weight ** 2, axis=1).reshape(1, N_EMB)

    idx2d, loss2d, table_pad = pl.pallas_call(
        _dist_argmin_body,
        grid=(N_BLK,),
        in_specs=[
            pl.BlockSpec((BLK, DIM), lambda i: (i, 0)),
            pl.BlockSpec((N_EMB, DIM), lambda i: (0, 0)),
            pl.BlockSpec((BLK, 1), lambda i: (i, 0)),
            pl.BlockSpec((1, N_EMB), lambda i: (0, 0)),
        ],
        out_specs=[
            pl.BlockSpec((BLK // 128, 128), lambda i: (i, 0)),
            pl.BlockSpec((1, 1), lambda i: (0, 0)),
            pl.BlockSpec((N_EMB // N_BLK, PAD_D), lambda i: (i, 0)),
        ],
        out_shape=[
            jax.ShapeDtypeStruct((ROWS // 128, 128), jnp.int32),
            jax.ShapeDtypeStruct((1, 1), jnp.float32),
            jax.ShapeDtypeStruct((N_EMB, PAD_D), jnp.float32),
        ],
    )(z_flat, embedding_weight, zn, wn)

    idx_flat = idx2d.reshape(ROWS)
    idx_chunks = idx2d

    sc_gather = pl.kernel(
        _sc_gather_st_body,
        out_type=jax.ShapeDtypeStruct((ROWS, DIM), jnp.float32),
        scratch_types=[
            pltpu.VMEM((CHUNKS_PER_W, IDX_CHUNK), jnp.int32),
            pltpu.VMEM((B_PER_W, PAD_D), jnp.float32),
            pltpu.VMEM((B_PER_W, DIM), jnp.float32),
            pltpu.VMEM((B_PER_W, DIM), jnp.float32),
            pltpu.SemaphoreType.DMA,
        ],
        mesh=plsc.VectorSubcoreMesh(core_axis_name="c", subcore_axis_name="s"),
    )
    z_q_st = sc_gather(table_pad, idx_chunks, z_flat)

    return (z_q_st.reshape(z.shape), loss2d[0, 0], idx_flat.reshape(z.shape[:-1]))

# --- scband reference (transcript-rebuilt; emitter-appended) ---
"""Pipeline reference for scband-vqvae-12532714570171 (READ-ONLY COPY).

The authoritative reference and input builder live on the scoring server;
editing this copy changes nothing except your own understanding.
"""

import jax, jax.numpy as jnp
import numpy as np

NUM_EMBEDDINGS = 8192
EMBEDDING_DIM = 32
COMMITMENT_COST = 0.25


def setup_inputs(seed: int = 0) -> dict:
    key = jax.random.key(seed)
    k1, k2 = jax.random.split(key)
    z = jax.random.normal(k1, (8, 1024, EMBEDDING_DIM), dtype=jnp.float32)
    embedding_weight = jax.random.uniform(
        k2, (NUM_EMBEDDINGS, EMBEDDING_DIM), dtype=jnp.float32,
        minval=-1.0 / NUM_EMBEDDINGS, maxval=1.0 / NUM_EMBEDDINGS)
    return {"z": z, "embedding_weight": embedding_weight}


def reference(z, embedding_weight):
    D = embedding_weight.shape[1]
    z_flat = z.reshape(-1, D)
    distances = (jnp.sum(z_flat ** 2, axis=1, keepdims=True)
                 + jnp.sum(embedding_weight ** 2, axis=1)
                 - 2.0 * jnp.matmul(z_flat, embedding_weight.T))
    indices = jnp.argmin(distances, axis=1)
    z_q = jnp.take(embedding_weight, indices, axis=0)
    codebook_loss = jnp.mean((z_q - jax.lax.stop_gradient(z_flat)) ** 2)
    commitment_loss = jnp.mean((jax.lax.stop_gradient(z_q) - z_flat) ** 2)
    loss = codebook_loss + COMMITMENT_COST * commitment_loss
    z_q_st = z_flat + jax.lax.stop_gradient(z_q - z_flat)
    z_q_st = z_q_st.reshape(z.shape)
    return (z_q_st, loss, indices.reshape(z.shape[:-1]))

if __name__ == "__main__":
    import jax
    _d = setup_inputs()
    print(jax.jit(kernel)(*tuple(_d.values())))

</pallas_src>

<mosaic_0001>
#map = affine_map<(d0, d1) -> (0, 0)>
module attributes {stable_mosaic.version = 14 : i64} {
  func.func @_sc_gather_st_body(%arg0: i32, %arg1: i32, %arg2: memref<8192x128xf32, #tpu.memory_space<hbm>>, %arg3: memref<64x128xi32, #tpu.memory_space<hbm>>, %arg4: memref<8192x32xf32, #tpu.memory_space<hbm>>, %arg5: memref<8192x32xf32, #tpu.memory_space<hbm>>, %arg6: memref<2x128xi32, #tpu.memory_space<vmem>>, %arg7: memref<256x128xf32, #tpu.memory_space<vmem>>, %arg8: memref<256x32xf32, #tpu.memory_space<vmem>>, %arg9: memref<256x32xf32, #tpu.memory_space<vmem>>, %arg10: memref<!tpu.dma_semaphore, #tpu.memory_space<semaphore_mem>>) attributes {dimension_semantics = [#tpu.dimension_semantics<core_parallel>, #tpu.dimension_semantics<subcore_parallel>], iteration_bounds = array<i64: 2, 16>, scalar_prefetch = 0 : i64, scratch_operands = 5 : i64, tpu.core_type = #tpu.core_type<sc_vector_subcore>, window_params = [{transform_indices = #map}, {transform_indices = #map}, {transform_indices = #map}, {transform_indices = #map}]} {
    %mul3A = arith.constant 2 : i32
    %mul3A_0 = arith.muli %arg1, %mul3A : i32
    %add3A = arith.addi %mul3A_0, %arg0 : i32
    %mul3A_1 = arith.constant 256 : i32
    %mul3A_2 = arith.muli %add3A, %mul3A_1 : i32
    %mul3A_3 = arith.constant 2 : i32
    %mul3A_4 = arith.muli %add3A, %mul3A_3 : i32
    "tpu.region"() ({
      %run_scoped3A = tpu.sem_alloc : memref<!tpu.dma_semaphore, #tpu.memory_space<semaphore_mem>>
      %dma_start3A_48 = arith.constant 0 : i32
      %dma_start3A_49 = tpu.memref_slice %arg3[%mul3A_4, %dma_start3A_48] : memref<64x128xi32, #tpu.memory_space<hbm>> -> memref<2x128xi32, #tpu.memory_space<hbm>>
      %dma_start3A_50 = arith.constant 0 : i32
      %dma_start3A_51 = tpu.memref_slice %arg3[%mul3A_4, %dma_start3A_50] : memref<64x128xi32, #tpu.memory_space<hbm>> -> memref<2x128xi32, #tpu.memory_space<hbm>>
      tpu.enqueue_dma source(%dma_start3A_51 : memref<2x128xi32, #tpu.memory_space<hbm>>) target(%arg6 : memref<2x128xi32, #tpu.memory_space<vmem>>) target_semaphore(%run_scoped3A : memref<!tpu.dma_semaphore, #tpu.memory_space<semaphore_mem>>)
      %dma_wait3A_52 = arith.constant 0 : i32
      %dma_wait3A_53 = tpu.memref_slice %arg3[%mul3A_4, %dma_wait3A_52] : memref<64x128xi32, #tpu.memory_space<hbm>> -> memref<2x128xi32, #tpu.memory_space<hbm>>
      %dma_wait3A_54 = arith.constant 0 : i32
      %dma_wait3A_55 = tpu.memref_slice %arg3[%mul3A_4, %dma_wait3A_54] : memref<64x128xi32, #tpu.memory_space<hbm>> -> memref<2x128xi32, #tpu.memory_space<hbm>>
      tpu.wait_dma2 semaphore(%run_scoped3A : memref<!tpu.dma_semaphore, #tpu.memory_space<semaphore_mem>>) src(%dma_wait3A_55 : memref<2x128xi32, #tpu.memory_space<hbm>>) dst(%arg6 : memref<2x128xi32, #tpu.memory_space<vmem>>)
      tpu.yield
    }) : () -> ()
    %dma_start3A = arith.constant 0 : i32
    %dma_start3A_5 = arith.constant 0 : i32
    %dma_start3A_6 = arith.constant 0 : i32
    %dma_start3A_7 = tpu.memref_slice %arg7[%dma_start3A_5, %dma_start3A_6] : memref<256x128xf32, #tpu.memory_space<vmem>> -> memref<128x128xf32, #tpu.memory_space<vmem>>
    %dma_start3A_8 = arith.constant 0 : i32
    %dma_start3A_9 = tpu.memref_slice %arg6[%dma_start3A, %dma_start3A_8] : memref<2x128xi32, #tpu.memory_space<vmem>> -> memref<1x128xi32, #tpu.memory_space<vmem>>
    %dma_start3A_10 = tpu.memref_squeeze %dma_start3A_9 : memref<1x128xi32, #tpu.memory_space<vmem>> -> memref<128xi32, #tpu.memory_space<vmem>>
    %dma_start3A_11 = arith.constant 0 : i32
    %dma_start3A_12 = arith.constant 0 : i32
    %dma_start3A_13 = tpu.memref_slice %arg2[%dma_start3A_11, %dma_start3A_12] : memref<8192x128xf32, #tpu.memory_space<hbm>> -> memref<8192x128xf32, #tpu.memory_space<hbm>>
    tpu.enqueue_indirect_dma source(%dma_start3A_13 : memref<8192x128xf32, #tpu.memory_space<hbm>>) target(%dma_start3A_7 : memref<128x128xf32, #tpu.memory_space<vmem>>) offsets(%dma_start3A_10 : memref<128xi32, #tpu.memory_space<vmem>>) semaphore(%arg10 : memref<!tpu.dma_semaphore, #tpu.memory_space<semaphore_mem>>)
    %dma_start3A_14 = arith.constant 1 : i32
    %dma_start3A_15 = arith.constant 128 : i32
    %dma_start3A_16 = arith.constant 0 : i32
    %dma_start3A_17 = tpu.memref_slice %arg7[%dma_start3A_15, %dma_start3A_16] : memref<256x128xf32, #tpu.memory_space<vmem>> -> memref<128x128xf32, #tpu.memory_space<vmem>>
    %dma_start3A_18 = arith.constant 0 : i32
    %dma_start3A_19 = tpu.memref_slice %arg6[%dma_start3A_14, %dma_start3A_18] : memref<2x128xi32, #tpu.memory_space<vmem>> -> memref<1x128xi32, #tpu.memory_space<vmem>>
    %dma_start3A_20 = tpu.memref_squeeze %dma_start3A_19 : memref<1x128xi32, #tpu.memory_space<vmem>> -> memref<128xi32, #tpu.memory_space<vmem>>
    %dma_start3A_21 = arith.constant 0 : i32
    %dma_start3A_22 = arith.constant 0 : i32
    %dma_start3A_23 = tpu.memref_slice %arg2[%dma_start3A_21, %dma_start3A_22] : memref<8192x128xf32, #tpu.memory_space<hbm>> -> memref<8192x128xf32, #tpu.memory_space<hbm>>
    tpu.enqueue_indirect_dma source(%dma_start3A_23 : memref<8192x128xf32, #tpu.memory_space<hbm>>) target(%dma_start3A_17 : memref<128x128xf32, #tpu.memory_space<vmem>>) offsets(%dma_start3A_20 : memref<128xi32, #tpu.memory_space<vmem>>) semaphore(%arg10 : memref<!tpu.dma_semaphore, #tpu.memory_space<semaphore_mem>>)
    "tpu.region"() ({
      %run_scoped3A = tpu.sem_alloc : memref<!tpu.dma_semaphore, #tpu.memory_space<semaphore_mem>>
      %dma_start3A_48 = arith.constant 0 : i32
      %dma_start3A_49 = tpu.memref_slice %arg4[%mul3A_2, %dma_start3A_48] : memref<8192x32xf32, #tpu.memory_space<hbm>> -> memref<256x32xf32, #tpu.memory_space<hbm>>
      %dma_start3A_50 = arith.constant 0 : i32
      %dma_start3A_51 = tpu.memref_slice %arg4[%mul3A_2, %dma_start3A_50] : memref<8192x32xf32, #tpu.memory_space<hbm>> -> memref<256x32xf32, #tpu.memory_space<hbm>>
      tpu.enqueue_dma source(%dma_start3A_51 : memref<256x32xf32, #tpu.memory_space<hbm>>) target(%arg8 : memref<256x32xf32, #tpu.memory_space<vmem>>) target_semaphore(%run_scoped3A : memref<!tpu.dma_semaphore, #tpu.memory_space<semaphore_mem>>)
      %dma_wait3A_52 = arith.constant 0 : i32
      %dma_wait3A_53 = tpu.memref_slice %arg4[%mul3A_2, %dma_wait3A_52] : memref<8192x32xf32, #tpu.memory_space<hbm>> -> memref<256x32xf32, #tpu.memory_space<hbm>>
      %dma_wait3A_54 = arith.constant 0 : i32
      %dma_wait3A_55 = tpu.memref_slice %arg4[%mul3A_2, %dma_wait3A_54] : memref<8192x32xf32, #tpu.memory_space<hbm>> -> memref<256x32xf32, #tpu.memory_space<hbm>>
      tpu.wait_dma2 semaphore(%run_scoped3A : memref<!tpu.dma_semaphore, #tpu.memory_space<semaphore_mem>>) src(%dma_wait3A_55 : memref<256x32xf32, #tpu.memory_space<hbm>>) dst(%arg8 : memref<256x32xf32, #tpu.memory_space<vmem>>)
      tpu.yield
    }) : () -> ()
    %dma_wait3A = arith.constant 0 : i32
    %dma_wait3A_24 = arith.constant 0 : i32
    %dma_wait3A_25 = arith.constant 0 : i32
    %dma_wait3A_26 = tpu.memref_slice %arg7[%dma_wait3A_24, %dma_wait3A_25] : memref<256x128xf32, #tpu.memory_space<vmem>> -> memref<128x128xf32, #tpu.memory_space<vmem>>
    %dma_wait3A_27 = arith.constant 0 : i32
    %dma_wait3A_28 = tpu.memref_slice %arg6[%dma_wait3A, %dma_wait3A_27] : memref<2x128xi32, #tpu.memory_space<vmem>> -> memref<1x128xi32, #tpu.memory_space<vmem>>
    %dma_wait3A_29 = tpu.memref_squeeze %dma_wait3A_28 : memref<1x128xi32, #tpu.memory_space<vmem>> -> memref<128xi32, #tpu.memory_space<vmem>>
    %dma_wait3A_30 = arith.constant 0 : i32
    %dma_wait3A_31 = arith.constant 0 : i32
    %dma_wait3A_32 = tpu.memref_slice %arg2[%dma_wait3A_30, %dma_wait3A_31] : memref<8192x128xf32, #tpu.memory_space<hbm>> -> memref<8192x128xf32, #tpu.memory_space<hbm>>
    tpu.wait_indirect_dma semaphore(%arg10 : memref<!tpu.dma_semaphore, #tpu.memory_space<semaphore_mem>>) src(%dma_wait3A_32 : memref<8192x128xf32, #tpu.memory_space<hbm>>) dst(%dma_wait3A_26 : memref<128x128xf32, #tpu.memory_space<vmem>>)
    %dma_wait3A_33 = arith.constant 1 : i32
    %dma_wait3A_34 = arith.constant 128 : i32
    %dma_wait3A_35 = arith.constant 0 : i32
    %dma_wait3A_36 = tpu.memref_slice %arg7[%dma_wait3A_34, %dma_wait3A_35] : memref<256x128xf32, #tpu.memory_space<vmem>> -> memref<128x128xf32, #tpu.memory_space<vmem>>
    %dma_wait3A_37 = arith.constant 0 : i32
    %dma_wait3A_38 = tpu.memref_slice %arg6[%dma_wait3A_33, %dma_wait3A_37] : memref<2x128xi32, #tpu.memory_space<vmem>> -> memref<1x128xi32, #tpu.memory_space<vmem>>
    %dma_wait3A_39 = tpu.memref_squeeze %dma_wait3A_38 : memref<1x128xi32, #tpu.memory_space<vmem>> -> memref<128xi32, #tpu.memory_space<vmem>>
    %dma_wait3A_40 = arith.constant 0 : i32
    %dma_wait3A_41 = arith.constant 0 : i32
    %dma_wait3A_42 = tpu.memref_slice %arg2[%dma_wait3A_40, %dma_wait3A_41] : memref<8192x128xf32, #tpu.memory_space<hbm>> -> memref<8192x128xf32, #tpu.memory_space<hbm>>
    tpu.wait_indirect_dma semaphore(%arg10 : memref<!tpu.dma_semaphore, #tpu.memory_space<semaphore_mem>>) src(%dma_wait3A_42 : memref<8192x128xf32, #tpu.memory_space<hbm>>) dst(%dma_wait3A_36 : memref<128x128xf32, #tpu.memory_space<vmem>>)
    %scan3A = arith.constant 0 : i32
    %scan3A_43 = arith.constant 0 : i32
    %scan3A_44 = arith.constant 64 : i32
    %scan3A_45 = arith.addi %scan3A_43, %scan3A_44 : i32
    %scan3A_46 = arith.constant 1 : i32
    scf.for %scan3A_48 = %scan3A_43 to %scan3A_45 step %scan3A_46  : i32 {
      %mul3A_49 = arith.constant 4 : i32
      %mul3A_50 = arith.muli %scan3A_48, %mul3A_49 : i32
      %add3A_51 = arith.constant 0 : i32
      %add3A_52 = arith.addi %mul3A_50, %add3A_51 : i32
      %get3A = arith.index_cast %add3A_52 : i32 to index
      %get3A_53 = arith.constant 0 : index
      %get3A_54 = tpu.vector_load %arg7[%get3A, %get3A_53] {strides = array<i32>} : memref<256x128xf32, #tpu.memory_space<vmem>>, vector<1x16xf32>,
      %get3A_55 = vector.shape_cast %get3A_54 : vector<1x16xf32> to vector<16xf32>
      %get3A_56 = arith.index_cast %add3A_52 : i32 to index
      %get3A_57 = arith.constant 0 : index
      %get3A_58 = tpu.vector_load %arg8[%get3A_56, %get3A_57] {strides = array<i32>} : memref<256x32xf32, #tpu.memory_space<vmem>>, vector<1x16xf32>,
      %get3A_59 = vector.shape_cast %get3A_58 : vector<1x16xf32> to vector<16xf32>
      %sub3A = arith.subf %get3A_55, %get3A_59 : vector<16xf32>
      %add3A_60 = arith.addf %get3A_59, %sub3A : vector<16xf32>
      %swap3A = arith.index_cast %add3A_52 : i32 to index
      %swap3A_61 = arith.constant 0 : index
      %swap3A_62 = tpu.vector_load %arg9[%swap3A, %swap3A_61] {strides = array<i32>} : memref<256x32xf32, #tpu.memory_space<vmem>>, vector<1x16xf32>,
      %swap3A_63 = vector.shape_cast %swap3A_62 : vector<1x16xf32> to vector<16xf32>
      %swap3A_64 = vector.shape_cast %add3A_60 : vector<16xf32> to vector<1x16xf32>
      tpu.vector_store %arg9[%swap3A, %swap3A_61], %swap3A_64 {strides = array<i32>} : memref<256x32xf32, #tpu.memory_space<vmem>>, vector<1x16xf32>,
      %get3A_65 = arith.index_cast %add3A_52 : i32 to index
      %get3A_66 = arith.constant 16 : index
      %get3A_67 = tpu.vector_load %arg7[%get3A_65, %get3A_66] {strides = array<i32>} : memref<256x128xf32, #tpu.memory_space<vmem>>, vector<1x16xf32>,
      %get3A_68 = vector.shape_cast %get3A_67 : vector<1x16xf32> to vector<16xf32>
      %get3A_69 = arith.index_cast %add3A_52 : i32 to index
      %get3A_70 = arith.constant 16 : index
      %get3A_71 = tpu.vector_load %arg8[%get3A_69, %get3A_70] {strides = array<i32>} : memref<256x32xf32, #tpu.memory_space<vmem>>, vector<1x16xf32>,
      %get3A_72 = vector.shape_cast %get3A_71 : vector<1x16xf32> to vector<16xf32>
      %sub3A_73 = arith.subf %get3A_68, %get3A_72 : vector<16xf32>
      %add3A_74 = arith.addf %get3A_72, %sub3A_73 : vector<16xf32>
      %swap3A_75 = arith.index_cast %add3A_52 : i32 to index
      %swap3A_76 = arith.constant 16 : index
      %swap3A_77 = tpu.vector_load %arg9[%swap3A_75, %swap3A_76] {strides = array<i32>} : memref<256x32xf32, #tpu.memory_space<vmem>>, vector<1x16xf32>,
      %swap3A_78 = vector.shape_cast %swap3A_77 : vector<1x16xf32> to vector<16xf32>
      %swap3A_79 = vector.shape_cast %add3A_74 : vector<16xf32> to vector<1x16xf32>
      tpu.vector_store %arg9[%swap3A_75, %swap3A_76], %swap3A_79 {strides = array<i32>} : memref<256x32xf32, #tpu.memory_space<vmem>>, vector<1x16xf32>,
      %mul3A_80 = arith.constant 4 : i32
      %mul3A_81 = arith.muli %scan3A_48, %mul3A_80 : i32
      %add3A_82 = arith.constant 1 : i32
      %add3A_83 = arith.addi %mul3A_81, %add3A_82 : i32
      %get3A_84 = arith.index_cast %add3A_83 : i32 to index
      %get3A_85 = arith.constant 0 : index
      %get3A_86 = tpu.vector_load %arg7[%get3A_84, %get3A_85] {strides = array<i32>} : memref<256x128xf32, #tpu.memory_space<vmem>>, vector<1x16xf32>,
      %get3A_87 = vector.shape_cast %get3A_86 : vector<1x16xf32> to vector<16xf32>
      %get3A_88 = arith.index_cast %add3A_83 : i32 to index
      %get3A_89 = arith.constant 0 : index
      %get3A_90 = tpu.vector_load %arg8[%get3A_88, %get3A_89] {strides = array<i32>} : memref<256x32xf32, #tpu.memory_space<vmem>>, vector<1x16xf32>,
      %get3A_91 = vector.shape_cast %get3A_90 : vector<1x16xf32> to vector<16xf32>
      %sub3A_92 = arith.subf %get3A_87, %get3A_91 : vector<16xf32>
      %add3A_93 = arith.addf %get3A_91, %sub3A_92 : vector<16xf32>
      %swap3A_94 = arith.index_cast %add3A_83 : i32 to index
      %swap3A_95 = arith.constant 0 : index
      %swap3A_96 = tpu.vector_load %arg9[%swap3A_94, %swap3A_95] {strides = array<i32>} : memref<256x32xf32, #tpu.memory_space<vmem>>, vector<1x16xf32>,
      %swap3A_97 = vector.shape_cast %swap3A_96 : vector<1x16xf32> to vector<16xf32>
      %swap3A_98 = vector.shape_cast %add3A_93 : vector<16xf32> to vector<1x16xf32>
      tpu.vector_store %arg9[%swap3A_94, %swap3A_95], %swap3A_98 {strides = array<i32>} : memref<256x32xf32, #tpu.memory_space<vmem>>, vector<1x16xf32>,
      %get3A_99 = arith.index_cast %add3A_83 : i32 to index
      %get3A_100 = arith.constant 16 : index
      %get3A_101 = tpu.vector_load %arg7[%get3A_99, %get3A_100] {strides = array<i32>} : memref<256x128xf32, #tpu.memory_space<vmem>>, vector<1x16xf32>,
      %get3A_102 = vector.shape_cast %get3A_101 : vector<1x16xf32> to vector<16xf32>
      %get3A_103 = arith.index_cast %add3A_83 : i32 to index
      %get3A_104 = arith.constant 16 : index
      %get3A_105 = tpu.vector_load %arg8[%get3A_103, %get3A_104] {strides = array<i32>} : memref<256x32xf32, #tpu.memory_space<vmem>>, vector<1x16xf32>,
      %get3A_106 = vector.shape_cast %get3A_105 : vector<1x16xf32> to vector<16xf32>
      %sub3A_107 = arith.subf %get3A_102, %get3A_106 : vector<16xf32>
      %add3A_108 = arith.addf %get3A_106, %sub3A_107 : vector<16xf32>
      %swap3A_109 = arith.index_cast %add3A_83 : i32 to index
      %swap3A_110 = arith.constant 16 : index
      %swap3A_111 = tpu.vector_load %arg9[%swap3A_109, %swap3A_110] {strides = array<i32>} : memref<256x32xf32, #tpu.memory_space<vmem>>, vector<1x16xf32>,
      %swap3A_112 = vector.shape_cast %swap3A_111 : vector<1x16xf32> to vector<16xf32>
      %swap3A_113 = vector.shape_cast %add3A_108 : vector<16xf32> to vector<1x16xf32>
      tpu.vector_store %arg9[%swap3A_109, %swap3A_110], %swap3A_113 {strides = array<i32>} : memref<256x32xf32, #tpu.memory_space<vmem>>, vector<1x16xf32>,
      %mul3A_114 = arith.constant 4 : i32
      %mul3A_115 = arith.muli %scan3A_48, %mul3A_114 : i32
      %add3A_116 = arith.constant 2 : i32
      %add3A_117 = arith.addi %mul3A_115, %add3A_116 : i32
      %get3A_118 = arith.index_cast %add3A_117 : i32 to index
      %get3A_119 = arith.constant 0 : index
      %get3A_120 = tpu.vector_load %arg7[%get3A_118, %get3A_119] {strides = array<i32>} : memref<256x128xf32, #tpu.memory_space<vmem>>, vector<1x16xf32>,
      %get3A_121 = vector.shape_cast %get3A_120 : vector<1x16xf32> to vector<16xf32>
      %get3A_122 = arith.index_cast %add3A_117 : i32 to index
      %get3A_123 = arith.constant 0 : index
      %get3A_124 = tpu.vector_load %arg8[%get3A_122, %get3A_123] {strides = array<i32>} : memref<256x32xf32, #tpu.memory_space<vmem>>, vector<1x16xf32>,
      %get3A_125 = vector.shape_cast %get3A_124 : vector<1x16xf32> to vector<16xf32>
      %sub3A_126 = arith.subf %get3A_121, %get3A_125 : vector<16xf32>
      %add3A_127 = arith.addf %get3A_125, %sub3A_126 : vector<16xf32>
      %swap3A_128 = arith.index_cast %add3A_117 : i32 to index
      %swap3A_129 = arith.constant 0 : index
      %swap3A_130 = tpu.vector_load %arg9[%swap3A_128, %swap3A_129] {strides = array<i32>} : memref<256x32xf32, #tpu.memory_space<vmem>>, vector<1x16xf32>,
      %swap3A_131 = vector.shape_cast %swap3A_130 : vector<1x16xf32> to vector<16xf32>
      %swap3A_132 = vector.shape_cast %add3A_127 : vector<16xf32> to vector<1x16xf32>
      tpu.vector_store %arg9[%swap3A_128, %swap3A_129], %swap3A_132 {strides = array<i32>} : memref<256x32xf32, #tpu.memory_space<vmem>>, vector<1x16xf32>,
      %get3A_133 = arith.index_cast %add3A_117 : i32 to index
      %get3A_134 = arith.constant 16 : index
      %get3A_135 = tpu.vector_load %arg7[%get3A_133, %get3A_134] {strides = array<i32>} : memref<256x128xf32, #tpu.memory_space<vmem>>, vector<1x16xf32>,
      %get3A_136 = vector.shape_cast %get3A_135 : vector<1x16xf32> to vector<16xf32>
      %get3A_137 = arith.index_cast %add3A_117 : i32 to index
      %get3A_138 = arith.constant 16 : index
      %get3A_139 = tpu.vector_load %arg8[%get3A_137, %get3A_138] {strides = array<i32>} : memref<256x32xf32, #tpu.memory_space<vmem>>, vector<1x16xf32>,
      %get3A_140 = vector.shape_cast %get3A_139 : vector<1x16xf32> to vector<16xf32>
      %sub3A_141 = arith.subf %get3A_136, %get3A_140 : vector<16xf32>
      %add3A_142 = arith.addf %get3A_140, %sub3A_141 : vector<16xf32>
      %swap3A_143 = arith.index_cast %add3A_117 : i32 to index
      %swap3A_144 = arith.constant 16 : index
      %swap3A_145 = tpu.vector_load %arg9[%swap3A_143, %swap3A_144] {strides = array<i32>} : memref<256x32xf32, #tpu.memory_space<vmem>>, vector<1x16xf32>,
      %swap3A_146 = vector.shape_cast %swap3A_145 : vector<1x16xf32> to vector<16xf32>
      %swap3A_147 = vector.shape_cast %add3A_142 : vector<16xf32> to vector<1x16xf32>
      tpu.vector_store %arg9[%swap3A_143, %swap3A_144], %swap3A_147 {strides = array<i32>} : memref<256x32xf32, #tpu.memory_space<vmem>>, vector<1x16xf32>,
      %mul3A_148 = arith.constant 4 : i32
      %mul3A_149 = arith.muli %scan3A_48, %mul3A_148 : i32
      %add3A_150 = arith.constant 3 : i32
      %add3A_151 = arith.addi %mul3A_149, %add3A_150 : i32
      %get3A_152 = arith.index_cast %add3A_151 : i32 to index
      %get3A_153 = arith.constant 0 : index
      %get3A_154 = tpu.vector_load %arg7[%get3A_152, %get3A_153] {strides = array<i32>} : memref<256x128xf32, #tpu.memory_space<vmem>>, vector<1x16xf32>,
      %get3A_155 = vector.shape_cast %get3A_154 : vector<1x16xf32> to vector<16xf32>
      %get3A_156 = arith.index_cast %add3A_151 : i32 to index
      %get3A_157 = arith.constant 0 : index
      %get3A_158 = tpu.vector_load %arg8[%get3A_156, %get3A_157] {strides = array<i32>} : memref<256x32xf32, #tpu.memory_space<vmem>>, vector<1x16xf32>,
      %get3A_159 = vector.shape_cast %get3A_158 : vector<1x16xf32> to vector<16xf32>
      %sub3A_160 = arith.subf %get3A_155, %get3A_159 : vector<16xf32>
      %add3A_161 = arith.addf %get3A_159, %sub3A_160 : vector<16xf32>
      %swap3A_162 = arith.index_cast %add3A_151 : i32 to index
      %swap3A_163 = arith.constant 0 : index
      %swap3A_164 = tpu.vector_load %arg9[%swap3A_162, %swap3A_163] {strides = array<i32>} : memref<256x32xf32, #tpu.memory_space<vmem>>, vector<1x16xf32>,
      %swap3A_165 = vector.shape_cast %swap3A_164 : vector<1x16xf32> to vector<16xf32>
      %swap3A_166 = vector.shape_cast %add3A_161 : vector<16xf32> to vector<1x16xf32>
      tpu.vector_store %arg9[%swap3A_162, %swap3A_163], %swap3A_166 {strides = array<i32>} : memref<256x32xf32, #tpu.memory_space<vmem>>, vector<1x16xf32>,
      %get3A_167 = arith.index_cast %add3A_151 : i32 to index
      %get3A_168 = arith.constant 16 : index
      %get3A_169 = tpu.vector_load %arg7[%get3A_167, %get3A_168] {strides = array<i32>} : memref<256x128xf32, #tpu.memory_space<vmem>>, vector<1x16xf32>,
      %get3A_170 = vector.shape_cast %get3A_169 : vector<1x16xf32> to vector<16xf32>
      %get3A_171 = arith.index_cast %add3A_151 : i32 to index
      %get3A_172 = arith.constant 16 : index
      %get3A_173 = tpu.vector_load %arg8[%get3A_171, %get3A_172] {strides = array<i32>} : memref<256x32xf32, #tpu.memory_space<vmem>>, vector<1x16xf32>,
      %get3A_174 = vector.shape_cast %get3A_173 : vector<1x16xf32> to vector<16xf32>
      %sub3A_175 = arith.subf %get3A_170, %get3A_174 : vector<16xf32>
      %add3A_176 = arith.addf %get3A_174, %sub3A_175 : vector<16xf32>
      %swap3A_177 = arith.index_cast %add3A_151 : i32 to index
      %swap3A_178 = arith.constant 16 : index
      %swap3A_179 = tpu.vector_load %arg9[%swap3A_177, %swap3A_178] {strides = array<i32>} : memref<256x32xf32, #tpu.memory_space<vmem>>, vector<1x16xf32>,
      %swap3A_180 = vector.shape_cast %swap3A_179 : vector<1x16xf32> to vector<16xf32>
      %swap3A_181 = vector.shape_cast %add3A_176 : vector<16xf32> to vector<1x16xf32>
      tpu.vector_store %arg9[%swap3A_177, %swap3A_178], %swap3A_181 {strides = array<i32>} : memref<256x32xf32, #tpu.memory_space<vmem>>, vector<1x16xf32>,
    }
    %scan3A_47 = arith.constant 64 : i32
    "tpu.region"() ({
      %run_scoped3A = tpu.sem_alloc : memref<!tpu.dma_semaphore, #tpu.memory_space<semaphore_mem>>
      %dma_start3A_48 = arith.constant 0 : i32
      %dma_start3A_49 = tpu.memref_slice %arg5[%mul3A_2, %dma_start3A_48] : memref<8192x32xf32, #tpu.memory_space<hbm>> -> memref<256x32xf32, #tpu.memory_space<hbm>>
      %dma_start3A_50 = arith.constant 0 : i32
      %dma_start3A_51 = tpu.memref_slice %arg5[%mul3A_2, %dma_start3A_50] : memref<8192x32xf32, #tpu.memory_space<hbm>> -> memref<256x32xf32, #tpu.memory_space<hbm>>
      tpu.enqueue_dma source(%arg9 : memref<256x32xf32, #tpu.memory_space<vmem>>) target(%dma_start3A_51 : memref<256x32xf32, #tpu.memory_space<hbm>>) target_semaphore(%run_scoped3A : memref<!tpu.dma_semaphore, #tpu.memory_space<semaphore_mem>>)
      %dma_wait3A_52 = arith.constant 0 : i32
      %dma_wait3A_53 = tpu.memref_slice %arg5[%mul3A_2, %dma_wait3A_52] : memref<8192x32xf32, #tpu.memory_space<hbm>> -> memref<256x32xf32, #tpu.memory_space<hbm>>
      %dma_wait3A_54 = arith.constant 0 : i32
      %dma_wait3A_55 = tpu.memref_slice %arg5[%mul3A_2, %dma_wait3A_54] : memref<8192x32xf32, #tpu.memory_space<hbm>> -> memref<256x32xf32, #tpu.memory_space<hbm>>
      tpu.wait_dma2 semaphore(%run_scoped3A : memref<!tpu.dma_semaphore, #tpu.memory_space<semaphore_mem>>) src(%arg9 : memref<256x32xf32, #tpu.memory_space<vmem>>) dst(%dma_wait3A_55 : memref<256x32xf32, #tpu.memory_space<hbm>>)
      tpu.yield
    }) : () -> ()
    return
  }
}

module attributes {stable_mosaic.version = 14 : i64} {
  func.func @_dist_argmin_body(%arg0: i32, %arg1: memref<1024x32xf32, #tpu.memory_space<vmem>>, %arg2: memref<8192x32xf32, #tpu.memory_space<vmem>>, %arg3: memref<1024x1xf32, #tpu.memory_space<vmem>>, %arg4: memref<1x8192xf32, #tpu.memory_space<vmem>>, %arg5: memref<8x128xi32, #tpu.memory_space<vmem>>, %arg6: memref<1x1xf32, #tpu.memory_space<vmem>>, %arg7: memref<1024x128xf32, #tpu.memory_space<vmem>>) attributes {dimension_semantics = [#tpu.dimension_semantics<arbitrary>], iteration_bounds = array<i64: 8>, scalar_prefetch = 0 : i64, scratch_operands = 0 : i64, tpu.core_type = #tpu.core_type<tc>, window_params = [{transform_indices = @transform_0, window_bounds = array<i64: 1024, 32>}, {pipeline_mode = #tpu.pipeline_mode<synchronous>, transform_indices = @transform_1, window_bounds = array<i64: 8192, 32>}, {transform_indices = @transform_2, window_bounds = array<i64: 1024, 1>}, {pipeline_mode = #tpu.pipeline_mode<synchronous>, transform_indices = @transform_3, window_bounds = array<i64: 1, 8192>}, {transform_indices = @transform_4, window_bounds = array<i64: 8, 128>}, {pipeline_mode = #tpu.pipeline_mode<synchronous>, transform_indices = @transform_5, window_bounds = array<i64: 1, 1>}, {transform_indices = @transform_6, window_bounds = array<i64: 1024, 128>}]} {
    %get3A = arith.constant 0 : index
    %get3A_0 = arith.constant 0 : index
    %get3A_1 = vector.load %arg1[%get3A, %get3A_0] : memref<1024x32xf32, #tpu.memory_space<vmem>>, vector<1024x32xf32>
    %convert_element_type3A = arith.truncf %get3A_1 : vector<1024x32xf32> to vector<1024x32xbf16>
    %get3A_2 = arith.constant 0 : index
    %get3A_3 = arith.constant 0 : index
    %get3A_4 = vector.load %arg2[%get3A_2, %get3A_3] : memref<8192x32xf32, #tpu.memory_space<vmem>>, vector<8192x32xf32>
    %get3A_5 = arith.constant 0 : index
    %get3A_6 = arith.constant 0 : index
    %get3A_7 = vector.load %arg3[%get3A_5, %get3A_6] : memref<1024x1xf32, #tpu.memory_space<vmem>>, vector<1024x1xf32>
    %get3A_8 = arith.constant 0 : index
    %get3A_9 = arith.constant 0 : index
    %get3A_10 = vector.load %arg4[%get3A_8, %get3A_9] : memref<1x8192xf32, #tpu.memory_space<vmem>>, vector<1x8192xf32>
    %mul3A = arith.constant -2.000000e+00 : f32
    %mul3A_11 = vector.broadcast %mul3A : f32 to vector<8192x32xf32>
    %mul3A_12 = arith.mulf %get3A_4, %mul3A_11 : vector<8192x32xf32>
    %dot_general3A = arith.constant dense<0.000000e+00> : vector<1024x8192xf32>
    %dot_general3A_13 = tpu.matmul %convert_element_type3A, %mul3A_12, %dot_general3A {dimension_numbers = #tpu.dot_dimension_numbers<[1], [1], [0], [0], [0, 0, 1, 0], [], []>, transpose_lhs_hint = false} : vector<1024x32xbf16>, vector<8192x32xf32>, vector<1024x8192xf32> -> vector<1024x8192xf32>
    %add3A = vector.broadcast %get3A_7 : vector<1024x1xf32> to vector<1024x8192xf32>
    %add3A_14 = vector.broadcast %get3A_10 : vector<1x8192xf32> to vector<1024x8192xf32>
    %add3A_15 = arith.addf %add3A, %add3A_14 : vector<1024x8192xf32>
    %add3A_16 = arith.addf %add3A_15, %dot_general3A_13 : vector<1024x8192xf32>
    %iota3A = tpu.iota {dimensions = array<i32: 1>} : vector<1024x2048xi32>
    %convert_element_type3A_17 = arith.sitofp %iota3A : vector<1024x2048xi32> to vector<1024x2048xf32>
    %slice3A = vector.extract_strided_slice %add3A_16 {offsets = [0, 0], sizes = [1024, 2048], strides = [1, 1]} : vector<1024x8192xf32> to vector<1024x2048xf32>
    %reduce_min3A = arith.constant dense<0x7F800000> : vector<1024xf32>
    %reduce_min3A_18 = vector.multi_reduction <minimumf>, %slice3A, %reduce_min3A [1] : vector<1024x2048xf32> to vector<1024xf32>
    %broadcast_in_dim3A = vector.shape_cast %reduce_min3A_18 : vector<1024xf32> to vector<1024x1xf32>
    %eq3A = vector.broadcast %broadcast_in_dim3A : vector<1024x1xf32> to vector<1024x2048xf32>
    %eq3A_19 = arith.cmpf oeq, %slice3A, %eq3A : vector<1024x2048xf32>
    %jit3A = arith.constant 8.192000e+03 : f32
    %broadcast_in_dim3A_20 = vector.broadcast %jit3A : f32 to vector<1024x2048xf32>
    %select_n3A = arith.select %eq3A_19, %convert_element_type3A_17, %broadcast_in_dim3A_20 : vector<1024x2048xi1>, vector<1024x2048xf32>
    %reduce_min3A_21 = arith.constant dense<0x7F800000> : vector<1024xf32>
    %reduce_min3A_22 = vector.multi_reduction <minimumf>, %select_n3A, %reduce_min3A_21 [1] : vector<1024x2048xf32> to vector<1024xf32>
    %add3A_23 = arith.constant 0.000000e+00 : f32
    %add3A_24 = vector.broadcast %add3A_23 : f32 to vector<1024xf32>
    %add3A_25 = arith.addf %reduce_min3A_22, %add3A_24 : vector<1024xf32>
    %convert_element_type3A_26 = arith.truncf %reduce_min3A_18 : vector<1024xf32> to vector<1024xbf16>
    %convert_element_type3A_27 = arith.extf %convert_element_type3A_26 : vector<1024xbf16> to vector<1024xf32>
    %slice3A_28 = vector.extract_strided_slice %add3A_16 {offsets = [0, 2048], sizes = [1024, 2048], strides = [1, 1]} : vector<1024x8192xf32> to vector<1024x2048xf32>
    %reduce_min3A_29 = arith.constant dense<0x7F800000> : vector<1024xf32>
    %reduce_min3A_30 = vector.multi_reduction <minimumf>, %slice3A_28, %reduce_min3A_29 [1] : vector<1024x2048xf32> to vector<1024xf32>
    %broadcast_in_dim3A_31 = vector.shape_cast %reduce_min3A_30 : vector<1024xf32> to vector<1024x1xf32>
    %eq3A_32 = vector.broadcast %broadcast_in_dim3A_31 : vector<1024x1xf32> to vector<1024x2048xf32>
    %eq3A_33 = arith.cmpf oeq, %slice3A_28, %eq3A_32 : vector<1024x2048xf32>
    %jit3A_34 = arith.constant 8.192000e+03 : f32
    %broadcast_in_dim3A_35 = vector.broadcast %jit3A_34 : f32 to vector<1024x2048xf32>
    %select_n3A_36 = arith.select %eq3A_33, %convert_element_type3A_17, %broadcast_in_dim3A_35 : vector<1024x2048xi1>, vector<1024x2048xf32>
    %reduce_min3A_37 = arith.constant dense<0x7F800000> : vector<1024xf32>
    %reduce_min3A_38 = vector.multi_reduction <minimumf>, %select_n3A_36, %reduce_min3A_37 [1] : vector<1024x2048xf32> to vector<1024xf32>
    %add3A_39 = arith.constant 2.048000e+03 : f32
    %add3A_40 = vector.broadcast %add3A_39 : f32 to vector<1024xf32>
    %add3A_41 = arith.addf %reduce_min3A_38, %add3A_40 : vector<1024xf32>
    %lt3A = arith.cmpf olt, %reduce_min3A_30, %convert_element_type3A_27 : vector<1024xf32>
    %convert_element_type3A_42 = arith.truncf %reduce_min3A_30 : vector<1024xf32> to vector<1024xbf16>
    %convert_element_type3A_43 = arith.extf %convert_element_type3A_42 : vector<1024xbf16> to vector<1024xf32>
    %select_n3A_44 = arith.select %lt3A, %convert_element_type3A_43, %convert_element_type3A_27 : vector<1024xi1>, vector<1024xf32>
    %select_n3A_45 = arith.select %lt3A, %add3A_41, %add3A_25 : vector<1024xi1>, vector<1024xf32>
    %select_n3A_46 = arith.select %lt3A, %reduce_min3A_30, %reduce_min3A_18 : vector<1024xi1>, vector<1024xf32>
    %slice3A_47 = vector.extract_strided_slice %add3A_16 {offsets = [0, 4096], sizes = [1024, 2048], strides = [1, 1]} : vector<1024x8192xf32> to vector<1024x2048xf32>
    %reduce_min3A_48 = arith.constant dense<0x7F800000> : vector<1024xf32>
    %reduce_min3A_49 = vector.multi_reduction <minimumf>, %slice3A_47, %reduce_min3A_48 [1] : vector<1024x2048xf32> to vector<1024xf32>
    %broadcast_in_dim3A_50 = vector.shape_cast %reduce_min3A_49 : vector<1024xf32> to vector<1024x1xf32>
    %eq3A_51 = vector.broadcast %broadcast_in_dim3A_50 : vector<1024x1xf32> to vector<1024x2048xf32>
    %eq3A_52 = arith.cmpf oeq, %slice3A_47, %eq3A_51 : vector<1024x2048xf32>
    %jit3A_53 = arith.constant 8.192000e+03 : f32
    %broadcast_in_dim3A_54 = vector.broadcast %jit3A_53 : f32 to vector<1024x2048xf32>
    %select_n3A_55 = arith.select %eq3A_52, %convert_element_type3A_17, %broadcast_in_dim3A_54 : vector<1024x2048xi1>, vector<1024x2048xf32>
    %reduce_min3A_56 = arith.constant dense<0x7F800000> : vector<1024xf32>
    %reduce_min3A_57 = vector.multi_reduction <minimumf>, %select_n3A_55, %reduce_min3A_56 [1] : vector<1024x2048xf32> to vector<1024xf32>
    %add3A_58 = arith.constant 4.096000e+03 : f32
    %add3A_59 = vector.broadcast %add3A_58 : f32 to vector<1024xf32>
    %add3A_60 = arith.addf %reduce_min3A_57, %add3A_59 : vector<1024xf32>
    %lt3A_61 = arith.cmpf olt, %reduce_min3A_49, %select_n3A_44 : vector<1024xf32>
    %convert_element_type3A_62 = arith.truncf %reduce_min3A_49 : vector<1024xf32> to vector<1024xbf16>
    %convert_element_type3A_63 = arith.extf %convert_element_type3A_62 : vector<1024xbf16> to vector<1024xf32>
    %select_n3A_64 = arith.select %lt3A_61, %convert_element_type3A_63, %select_n3A_44 : vector<1024xi1>, vector<1024xf32>
    %select_n3A_65 = arith.select %lt3A_61, %add3A_60, %select_n3A_45 : vector<1024xi1>, vector<1024xf32>
    %select_n3A_66 = arith.select %lt3A_61, %reduce_min3A_49, %select_n3A_46 : vector<1024xi1>, vector<1024xf32>
    %slice3A_67 = vector.extract_strided_slice %add3A_16 {offsets = [0, 6144], sizes = [1024, 2048], strides = [1, 1]} : vector<1024x8192xf32> to vector<1024x2048xf32>
    %reduce_min3A_68 = arith.constant dense<0x7F800000> : vector<1024xf32>
    %reduce_min3A_69 = vector.multi_reduction <minimumf>, %slice3A_67, %reduce_min3A_68 [1] : vector<1024x2048xf32> to vector<1024xf32>
    %broadcast_in_dim3A_70 = vector.shape_cast %reduce_min3A_69 : vector<1024xf32> to vector<1024x1xf32>
    %eq3A_71 = vector.broadcast %broadcast_in_dim3A_70 : vector<1024x1xf32> to vector<1024x2048xf32>
    %eq3A_72 = arith.cmpf oeq, %slice3A_67, %eq3A_71 : vector<1024x2048xf32>
    %jit3A_73 = arith.constant 8.192000e+03 : f32
    %broadcast_in_dim3A_74 = vector.broadcast %jit3A_73 : f32 to vector<1024x2048xf32>
    %select_n3A_75 = arith.select %eq3A_72, %convert_element_type3A_17, %broadcast_in_dim3A_74 : vector<1024x2048xi1>, vector<1024x2048xf32>
    %reduce_min3A_76 = arith.constant dense<0x7F800000> : vector<1024xf32>
    %reduce_min3A_77 = vector.multi_reduction <minimumf>, %select_n3A_75, %reduce_min3A_76 [1] : vector<1024x2048xf32> to vector<1024xf32>
    %add3A_78 = arith.constant 6.144000e+03 : f32
    %add3A_79 = vector.broadcast %add3A_78 : f32 to vector<1024xf32>
    %add3A_80 = arith.addf %reduce_min3A_77, %add3A_79 : vector<1024xf32>
    %lt3A_81 = arith.cmpf olt, %reduce_min3A_69, %select_n3A_64 : vector<1024xf32>
    %select_n3A_82 = arith.select %lt3A_81, %add3A_80, %select_n3A_65 : vector<1024xi1>, vector<1024xf32>
    %select_n3A_83 = arith.select %lt3A_81, %reduce_min3A_69, %select_n3A_66 : vector<1024xi1>, vector<1024xf32>
    %convert_element_type3A_84 = arith.fptosi %select_n3A_82 : vector<1024xf32> to vector<1024xi32>
    %reshape3A = vector.shape_cast %convert_element_type3A_84 : vector<1024xi32> to vector<8x128xi32>
    %swap3A = arith.constant 0 : index
    %swap3A_85 = arith.constant 0 : index
    %swap3A_86 = vector.load %arg5[%swap3A, %swap3A_85] : memref<8x128xi32, #tpu.memory_space<vmem>>, vector<8x128xi32>
    tpu.vector_store %arg5[%swap3A, %swap3A_85], %reshape3A {strides = array<i32>} : memref<8x128xi32, #tpu.memory_space<vmem>>, vector<8x128xi32>,
    %eq3A_87 = arith.constant 0 : i32
    %eq3A_88 = arith.cmpi eq, %arg0, %eq3A_87 : i32
    %convert_element_type3A_89 = arith.extui %eq3A_88 : i1 to i32
    %cond3A = arith.constant 0 : i32
    %cond3A_90 = arith.cmpi ne, %convert_element_type3A_89, %cond3A : i32
    scf.if %cond3A_90 {
      %broadcast_in_dim3A_116 = arith.constant 0.000000e+00 : f32
      %broadcast_in_dim3A_117 = vector.broadcast %broadcast_in_dim3A_116 : f32 to vector<1x1xf32>
      %swap3A_118 = arith.constant 0 : index
      %swap3A_119 = arith.constant 0 : index
      %swap3A_120 = vector.load %arg6[%swap3A_118, %swap3A_119] : memref<1x1xf32, #tpu.memory_space<vmem>>, vector<1x1xf32>
      tpu.vector_store %arg6[%swap3A_118, %swap3A_119], %broadcast_in_dim3A_117 {strides = array<i32>} : memref<1x1xf32, #tpu.memory_space<vmem>>, vector<1x1xf32>,
    } else {
    }
    %mul3A_91 = arith.constant 1024 : i32
    %mul3A_92 = arith.muli %arg0, %mul3A_91 : i32
    %get3A_93 = arith.index_cast %mul3A_92 : i32 to index
    %get3A_94 = arith.constant 0 : index
    %get3A_95 = vector.load %arg2[%get3A_93, %get3A_94] : memref<8192x32xf32, #tpu.memory_space<vmem>>, vector<1024x32xf32>
    %jit3A_96 = arith.constant 0 : i32
    %convert_element_type3A_97 = arith.sitofp %jit3A_96 : i32 to f32
    %pad3A = vector.broadcast %convert_element_type3A_97 : f32 to vector<1024x96xf32>
    %pad3A_98 = tpu.concatenate %get3A_95, %pad3A in 1 : vector<1024x32xf32>, vector<1024x96xf32> -> vector<1024x128xf32>
    %swap3A_99 = arith.constant 0 : index
    %swap3A_100 = arith.constant 0 : index
    %swap3A_101 = vector.load %arg7[%swap3A_99, %swap3A_100] : memref<1024x128xf32, #tpu.memory_space<vmem>>, vector<1024x128xf32>
    tpu.vector_store %arg7[%swap3A_99, %swap3A_100], %pad3A_98 {strides = array<i32>} : memref<1024x128xf32, #tpu.memory_space<vmem>>, vector<1024x128xf32>,
    %get3A_102 = arith.constant 0 : index
    %get3A_103 = arith.constant 0 : index
    %get3A_104 = vector.load %arg6[%get3A_102, %get3A_103] : memref<1x1xf32, #tpu.memory_space<vmem>>, vector<1x1xf32>
    %reduce_sum3A = vector.shape_cast %select_n3A_83 : vector<1024xf32> to vector<1x1024xf32>
    %reduce_sum3A_105 = arith.constant dense<0.000000e+00> : vector<1xf32>
    %reduce_sum3A_106 = vector.multi_reduction <add>, %reduce_sum3A, %reduce_sum3A_105 [1] : vector<1x1024xf32> to vector<1xf32>
    %reduce_sum3A_107 = vector.shape_cast %reduce_sum3A_106 : vector<1xf32> to vector<1x1xf32>
    %reduce_sum3A_108 = vector.extract %reduce_sum3A_107[0, 0] : f32 from vector<1x1xf32>
    %mul3A_109 = arith.constant 4.76837158E-6 : f32
    %mul3A_110 = arith.mulf %reduce_sum3A_108, %mul3A_109 : f32
    %add3A_111 = vector.broadcast %mul3A_110 : f32 to vector<1x1xf32>
    %add3A_112 = arith.addf %get3A_104, %add3A_111 : vector<1x1xf32>
    %swap3A_113 = arith.constant 0 : index
    %swap3A_114 = arith.constant 0 : index
    %swap3A_115 = vector.load %arg6[%swap3A_113, %swap3A_114] : memref<1x1xf32, #tpu.memory_space<vmem>>, vector<1x1xf32>
    tpu.vector_store %arg6[%swap3A_113, %swap3A_114], %add3A_112 {strides = array<i32>} : memref<1x1xf32, #tpu.memory_space<vmem>>, vector<1x1xf32>,
    return
  }
  func.func @transform_0(%arg0: i32) -> (i32, i32) {
    %c0_i32 = arith.constant 0 : i32
    %c0_i32_0 = arith.constant 0 : i32
    return %arg0, %c0_i32 : i32, i32
  }
  func.func @transform_1(%arg0: i32) -> (i32, i32) {
    %c0_i32 = arith.constant 0 : i32
    %c0_i32_0 = arith.constant 0 : i32
    %c0_i32_1 = arith.constant 0 : i32
    return %c0_i32, %c0_i32_0 : i32, i32
  }
  func.func @transform_2(%arg0: i32) -> (i32, i32) {
    %c0_i32 = arith.constant 0 : i32
    %c0_i32_0 = arith.constant 0 : i32
    return %arg0, %c0_i32 : i32, i32
  }
  func.func @transform_3(%arg0: i32) -> (i32, i32) {
    %c0_i32 = arith.constant 0 : i32
    %c0_i32_0 = arith.constant 0 : i32
    %c0_i32_1 = arith.constant 0 : i32
    return %c0_i32, %c0_i32_0 : i32, i32
  }
  func.func @transform_4(%arg0: i32) -> (i32, i32) {
    %c0_i32 = arith.constant 0 : i32
    %c0_i32_0 = arith.constant 0 : i32
    return %arg0, %c0_i32 : i32, i32
  }
  func.func @transform_5(%arg0: i32) -> (i32, i32) {
    %c0_i32 = arith.constant 0 : i32
    %c0_i32_0 = arith.constant 0 : i32
    %c0_i32_1 = arith.constant 0 : i32
    return %c0_i32, %c0_i32_0 : i32, i32
  }
  func.func @transform_6(%arg0: i32) -> (i32, i32) {
    %c0_i32 = arith.constant 0 : i32
    %c0_i32_0 = arith.constant 0 : i32
    return %arg0, %c0_i32 : i32, i32
  }
}

</mosaic_0001>

<sc_bundles>
// kernel: kernel.4.cloned.1.call-start
scs
__scs_entry_jumppad:
0x0: {  	(pc) =	sbr.rel $0x88, $3  }
0x1: {  	(tag) =	ssettag $0x0;
	lr =	simm.s32 $0x1  }
0x2: {  	[smem:$0x3F9F] =	sst lr;
	_ =	strace $0xD0000000  }
0x3: {  	_ = 	snop  }
0x4: {  	_ = 	snop  }
0x5: {  	_ = 	snop  }
0x6: {  	_ = 	snop  }
0x7: {  	_ = 	snop  }
__scs_overlays_trampoline_lowered:
0x8: {  	[smem:$0x3FAE] =	sst s0  }
0x9: {  	[smem:$0x3FAF] =	sst s1  }
0xa: {  	[smem:$0x3FB0] =	sst s2  }
0xb: {  	[smem:$0x3FB1] =	sst s3  }
0xc: {  	[smem:$0x3FB2] =	sst s4  }
0xd: {  	[smem:$0x3FB3] =	sst s5  }
0xe: {  	[smem:$0x3FB4] =	sst s6  }
0xf: {  	[smem:$0x3FB5] =	sst s7  }
0x10: {  	[smem:$0x3FB6] =	sst s8  }
0x11: {  	[smem:$0x3FB7] =	sst s9;
	s0 =	simm.s32 @!p0 $0x0  }
0x12: {  	s1 =	sld [smem:$0x3F9D];
	s0 =	simm.s32 @p0 $0x1  }
0x13: {  	[smem:$0x3FB8] =	sst s0;
	s0 =	simm.s32 @!p1 $0x0  }
0x14: {  	s2 =	sld [smem:$0x3F9C];
	s0 =	simm.s32 @p1 $0x1  }
0x15: {  	[smem:$0x3FB9] =	sst s0;
	s0 =	simm.s32 @!p2 $0x0  }
0x16: {  	s3 =	sld [smem:$0x3FDB];
	s0 =	simm.s32 @p2 $0x1  }
0x17: {  	s4 =	simm.s32 $0x1BF5;
	[smem:$0x3FBB] =	sst s0  }
0x18: {  	s0 =	sld [smem:$0x3F9E];
	_ =	swait.ge [sflag:s4], $0x0  }
0x19: {  	s7 =	sld [smem:$0x3F9F]  }
0x1a: {  	s8 =	sadd.s32 $0xFFFFE003, lr  }
0x1b: {  	s9 =	sadd.s32 $0xFFFFFEF7, lr;
	s5 =	simm.s32 $0xFFFFFFFF;
	p2 =	slt.u32 s8, $0xFFFFF086  }
0x1c: {  	p1 =	slt.u32 s9, $0xF7A;
	s5 =	simm.s32 @!p2 $0x0  }
0x1d: {  	s5 =	simm.s32 @p1 $0x1;
	p0 =	seq.s32 s7, s2  }
0x1e: {  	s7 =	smul.u32 @!p0 $0xF7A, s2;
	p2 =	seq.s32 @!p0 s5, $0x0  }
0x1f: {  	s9 =	smul.u32 $0xF7A, s1;
	s8 =	simm.s32 @!p0 $0x1BF5;
	p2 =	por !p2, p0  }
0x20: {  	[sflag:s8] =	ssyncset.s32 @!p0 $0xFFFFF086;
	s6 =	sadd.s32 @!p0 s3, s7;
	s7 =	simm.s32 @!p0 $0x108  }
0x21: {  	s3 =	sadd.s32 s3, s9;
	s6 =	sadd.s32 @!p0 $0x88, s6;
	s7 =	simm.s32 @p2 $0x1082  }
0x22: {  	[simem:s7], [sflag:s8] =	dma.local @!p0 [hbm:s6], $0xF7A  }
0x23: {  	s9 =	sor.u32 $0xD0000000, s2;
	s6 =	simm.s32 $0x108;
	_ =	swait.ge @!p0 [sflag:s8], $0x0  }
0x24: {  	s3 =	sadd.s32 $0x88, s3;
	s6 =	simm.s32 @!p1 $0x1082;
	[sflag:s4] =	ssyncset.s32 $0xFFFFF086  }
0x25: {  	[simem:s6], [sflag:s4] =	dma.local [hbm:s3], $0xF7A  }
0x26: {  	[smem:$0x3F9F] =	sst s1;
	(tag) =	ssettag s2;
	_ =	strace s9  }
0x27: {  	s1 =	sld [smem:$0x3FAF]  }
0x28: {  	s2 =	sld [smem:$0x3FB0]  }
0x29: {  	s4 =	sld [smem:$0x3FB2]  }
0x2a: {  	p0 =	seq.s32 s5, $0x0;
	s5 =	sld [smem:$0x3FB3]  }
0x2b: {  	s6 =	sld [smem:$0x3FB4]  }
0x2c: {  	s7 =	sld [smem:$0x3FB5]  }
0x2d: {  	s3 =	simm.s32 $0x108;
	s8 =	sld [smem:$0x3FB6]  }
0x2e: {  	s3 =	simm.s32 @!p0 $0x1082;
	s9 =	sld [smem:$0x3FB7]  }
0x2f: {  	lr =	sadd.s32 s0, s3;
	s0 =	sld [smem:$0x3FAE]  }
0x30: {  	s3 =	sld [smem:$0x3FB1]  }
0x31: {  	[smem:$0x3FBA] =	sst s10  }
0x32: {  	s10 =	sld [smem:$0x3FB8];
	_ =	sdelay $0x3  }
0x33: {  	p0 =	seq.s32 s10, $0x1;
	s10 =	sld [smem:$0x3FBA];
	_ =	sdelay $0x3  }
0x34: {  	[smem:$0x3FBA] =	sst s10  }
0x35: {  	s10 =	sld [smem:$0x3FB9];
	_ =	sdelay $0x3  }
0x36: {  	p1 =	seq.s32 s10, $0x1;
	s10 =	sld [smem:$0x3FBA];
	_ =	sdelay $0x3  }
0x37: {  	[smem:$0x3FBA] =	sst s10  }
0x38: {  	s10 =	sld [smem:$0x3FBB]  }
0x39: {  	_ = 	snop;
	(pc) =	sbr.ind lr, $3  }
0x3a: {  	_ = 	snop  }
0x3b: {  	_ = 	snop  }
0x3c: {  	p2 =	seq.s32 s10, $0x1;
	s10 =	sld [smem:$0x3FBA]  }
0x3d: {  	_ =	shalt  }
0x3e: {  	_ =	shalt  }
0x3f: {  	_ =	shalt  }
0x40: {  	_ =	shalt  }
0x41: {  	_ =	shalt  }
0x42: {  	_ =	shalt  }
0x43: {  	_ =	shalt  }
0x44: {  	_ =	shalt  }
0x45: {  	_ =	shalt  }
0x46: {  	_ =	shalt  }
0x47: {  	_ =	shalt  }
0x48: {  	_ =	shalt  }
0x49: {  	_ =	shalt  }
0x4a: {  	_ =	shalt  }
0x4b: {  	_ =	shalt  }
0x4c: {  	_ =	shalt  }
0x4d: {  	_ =	shalt  }
0x4e: {  	_ =	shalt  }
0x4f: {  	_ =	shalt  }
0x50: {  	_ =	shalt  }
0x51: {  	_ =	shalt  }
0x52: {  	_ =	shalt  }
0x53: {  	_ =	shalt  }
0x54: {  	_ =	shalt  }
0x55: {  	_ =	shalt  }
0x56: {  	_ =	shalt  }
0x57: {  	_ =	shalt  }
0x58: {  	_ =	shalt  }
0x59: {  	_ =	shalt  }
0x5a: {  	_ =	shalt  }
0x5b: {  	_ =	shalt  }
0x5c: {  	_ =	shalt  }
0x5d: {  	_ =	shalt  }
0x5e: {  	_ =	shalt  }
0x5f: {  	_ =	shalt  }
0x60: {  	_ =	shalt  }
0x61: {  	_ =	shalt  }
0x62: {  	_ =	shalt  }
0x63: {  	_ =	shalt  }
0x64: {  	_ =	shalt  }
0x65: {  	_ =	shalt  }
0x66: {  	_ =	shalt  }
0x67: {  	_ =	shalt  }
0x68: {  	_ =	shalt  }
0x69: {  	_ =	shalt  }
0x6a: {  	_ =	shalt  }
0x6b: {  	_ =	shalt  }
0x6c: {  	_ =	shalt  }
0x6d: {  	_ =	shalt  }
0x6e: {  	_ =	shalt  }
0x6f: {  	_ =	shalt  }
0x70: {  	_ =	shalt  }
0x71: {  	_ =	shalt  }
0x72: {  	_ =	shalt  }
0x73: {  	_ =	shalt  }
0x74: {  	_ =	shalt  }
0x75: {  	_ =	shalt  }
0x76: {  	_ =	shalt  }
0x77: {  	_ =	shalt  }
0x78: {  	_ =	shalt  }
0x79: {  	_ =	shalt  }
0x7a: {  	_ =	shalt  }
0x7b: {  	_ =	shalt  }
0x7c: {  	_ =	shalt  }
0x7d: {  	_ =	shalt  }
0x7e: {  	_ =	shalt  }
0x7f: {  	_ =	shalt  }
0x80: {  	_ =	shalt  }
0x81: {  	_ =	shalt  }
0x82: {  	_ =	shalt  }
0x83: {  	_ =	shalt  }
0x84: {  	_ =	shalt  }
0x85: {  	_ =	shalt  }
0x86: {  	_ =	shalt  }
0x87: {  	_ =	shalt  }
.Lfunc_end0:
.L_simem_size_0:
called_computation_lowered:
.L_overlay_start_0:
0x88: {  	s2 =	sld [smem:$0x3FD9]  }
0x89: {  	s3 =	sld [smem:$0x3FFE];
	_ =	sdelay $0x1  }
0x8a: {  	s1 =	srdreg.scid  }
0x8b: {  	s0 =	sand.u32 $0x1, s1  }
0x8c: {  	s14 =	sshll.u32 s0, $0xA;
	s2 =	sadd.s32 s3, s2  }
0x8d: {  	s2 =	sadd.s32 s2, s14  }
0x8e: {  	[smem:$0x3FC6] =	sst s2  }
0x8f: {  	_ = 	snop  }
0x90: {  	s2 =	sld [smem:$0x3FD0];
	_ =	sdelay $0x2  }
0x91: {  	s15 =	simm.s32 $0xA;
	s4 =	simm.s32 $0x10  }
0x92: {  	[smem:s4], [sflag:s15] =	dma.local [hbm:s2], $0x1  }
0x93: {  	_ =	swait.eq [sflag:s15], $0x1  }
0x94: {  	[sflag:s15] =	ssyncset.done $0x0  }
0x95: {  	[sflag:s15] =	ssyncadd.s32 $0xFFFFFFFF  }
0x96: {  	s16 =	sld [smem:$0x10];
	(tm) =	ssettm $0x1  }
0x97: {  	s17 =	sld [smem:$0x3FFB];
	_ =	sdelay $0x3  }
0x98: {  	_ =	strace s17  }
0x99: {  	s3 =	sld [smem:$0x3FFC];
	_ =	sdelay $0x3  }
0x9a: {  	_ =	strace s3  }
0x9b: {  	s3 =	sld [smem:$0x3FFD];
	_ =	sdelay $0x3  }
0x9c: {  	_ =	strace s3  }
0x9d: {  	_ =	strace $0x8FFFFFFF  }
0x9e: {  	s18 =	sld [smem:$0x3FDB];
	_ =	sdelay $0x1  }
0x9f: {  	s19 =	simm.s32 $_scs_section_size  }
0xa0: {  	s5 =	simm.s32 $_size__tile_overlayer_lowered;
	s6 =	simm.s32 $_tile_overlayer_lowered  }
0xa1: {  	s22 =	simm.s32 $0x1BFF;
	s21 =	sshll.u32 s6, $0x1;
	s3 =	sadd.s32 s19, s18  }
0xa2: {  	s7 =	simm.s32 $0x0;
	s20 =	sshll.u32 s5, $0x1;
	s5 =	sadd.s32 s21, s3  }
0xa3: {  	[timem:s7], [sflag:s22] =	dma.local [hbm:s5], s20  }
0xa4: {  	_ =	swait.ge [sflag:s22], s20  }
0xa5: {  	s4 =	ssub.s32 $0x0, s20;
	[sflag:s22] =	ssyncset.done $0x0  }
0xa6: {  	[sflag:s22] =	ssyncadd.s32 s4;
	_ =	sdelay $0x1  }
0xa7: {  	s23 =	simm.s32 $0x1B8B  }
0xa8: {  	_ =	swait.ge [sflag:s23], $0x1  }
0xa9: {  	[sflag:s23] =	ssyncset.done $0x0  }
0xaa: {  	s25 =	simm.s32 $0x1B8E;
	s24 =	sld [smem:$0x3FFE];
	[sflag:s23] =	ssyncadd.s32 $0xFFFFFFFF  }
0xab: {  	s26 =	simm.s32 $execute0_lowered;
	[smem:$0x3FD2] =	sst s25  }
0xac: {  	s5 =	sshll.u32 s26, $0x1;
	_ =	strace $0x80000046;
	[dreg:$0x1] =	wrdreg $0xFFFFFFFF  }
0xad: {  	s28 =	simm.s32 $_size_execute0_lowered;
	s3 =	sadd.s32 s3, s5;
	[dreg:$0x0] =	wrdreg $0x0  }
0xae: {  	s5 =	sshll.u32 s28, $0x1;
	[dreg:$0x2] =	wrdreg s3  }
0xaf: {  	[dreg:$0x3] =	wrdreg s5  }
0xb0: {  	[dreg:$0x4] =	wrdreg $0xC0  }
0xb1: {  	_ =	task [dreg:s7], $0x5FFFF  }
0xb2: {  	[dreg:$0x1] =	wrdreg $0xFFFFFFFF  }
0xb3: {  	[dreg:$0x0] =	wrdreg $0x60  }
0xb4: {  	[dreg:$0x2] =	wrdreg s24  }
0xb5: {  	[dreg:$0x3] =	wrdreg s16  }
0xb6: {  	[dreg:$0x4] =	wrdreg $0x9  }
0xb7: {  	_ =	task.clear_ibuf [dreg:s7], $0x5FFFF;
	_ =	strace $0x90000046  }
0xb8: {  	s29 =	simm.s32 $0x9;
	_ =	strace $0x80000048  }
0xb9: {  	_ =	swait.ge [sflag:s29], $0x1  }
0xba: {  	[sflag:s29] =	ssyncadd.s32 $0xFFFFFFFF  }
0xbb: {  	_ =	strace $0x90000048  }
0xbc: {  	_ =	sfence  }
0xbd: {  	s30 =	sld [smem:$0x0];
	_ =	sdelay $0x2  }
0xbe: {  	s31 =	sshll.u32 s1, $0xD;
	s1 =	sshrl.u32 s1, $0x2  }
0xbf: {  	s3 =	sand.u32 $0x4000, s31;
	s1 =	sadd.s32 s1, s30  }
0xc0: {  	s0 =	sor.u32 s3, s0;
	s1 =	sshll.u32 s1, $0x11  }
0xc1: {  	s0 =	sor.u32 s1, s0  }
0xc2: {  	s0 =	sadd.s32 $0x8F2B, s0  }
0xc3: {  	[sflag:s0] =	ssyncadd.remote.s32 $0x1  }
0xc4: {  	_ =	sfence.sel $0xFFFF  }
0xc5: {  	[dreg:$0x0] =	wrdreg $0xFFFFFFFF;
	(pc) =	sbr.abs _section_cstart, $3  }
0xc6: {  	[dreg:$0x1] =	wrdreg $0xFFFFFFFF  }
0xc7: {  	_ =	task.clear_ibuf [dreg:s7], $0x2FFFF;
	_ =	strace $0x9FFFFFFF  }
0xc8: {  	(tm) =	ssettm $0x7FFFFFFF  }
0xc9: {  	_ =	shalt  }
tec
execute0_lowered:
.L_overlay_start_1:
0x0: {  	(tag) =	ssettag $0x1  }
0x1: {  	s4 =	rddreg [dreg:$0x0]  }
0x2: {  	s5 =	rddreg [dreg:$0x1]  }
0x3: {  	s0 =	rddreg [dreg:$0x2]  }
0x4: {  	s2 =	simm.s32 $0x0;
	s3 =	srdreg.scid;
	s1 =	stileid.u32  }
0x5: {  	s10 =	simm.s32 $0x100;
	s11 =	simm.s32 $0x4100;
	s12 =	simm.s32 $0x8100  }
0x6: {  	s13 =	simm.s32 $0x1;
	s14 =	simm.s32 $0x10100;
	s15 =	simm.s32 $0x0  }
0x7: {  	[smem:$0x7FF] =	sst s2;
	s3 =	sand.u32 $0x1, s3;
	s6 =	sshll.u32 s1, $0x1  }
0x8: {  	_ =	strace $0x80000047;
	s6 =	sor.u32 s3, s6;
	s7 =	ssub.s32 $0x2, s3  }
0x9: {  	s3 =	sadd.s32 $0x20600, s4;
	s8 =	sshll.u32 s6, $0xC;
	s9 =	sshrl.u32 s7, $0x1  }
0xa: {  	s31 =	sshll.u32 s6, $0x5;
	s8 =	sadd.s32 s8, s4;
	s7 =	ssub.s32 s7, s9  }
0xb: {  	s4 =	sadd.s32 s5, s31;
	s9 =	simm.s32 $0x80;
	s5 =	sadd.s32 $0x600, s8  }
0xc: {  	s6 =	sadd.s32 $0x40600, s8;
	s7 =	smax.u32 s7, $0x1;
	s8 =	simm.s32 $0x2  }
.LBB2_1:
0xd: {  	[tilespmem:s2], [sflag:$0x2] =	stream.linear.gather [hbm4b:s4+s2], $0x100, $0x38;
	[tilespmem:$0x18100] =	vst v63  }
0xe: {  	_ =	swait.ge [sflag:s8], $0x100  }
0xf: {  	[sflag:s8] =	ssyncset.done $0x0  }
0x10: {  	[sflag:s8] =	ssyncadd.s32 $0xFFFFFF00  }
0x11: {  	[tilespmem:s10], [sflag:$0x1] =	stream.indirect.gather [hbm4b:s3+s9], $0x80, s2, s9, $0xb8;
	[tilespmem:$0x18100] =	vst v63  }
0x12: {  	_ = 	snop  }
0x13: {  	[tilespmem:s11], [sflag:$0x1] =	stream.indirect.gather [hbm4b:s3+s9], $0x80, s9, s9, $0xb8;
	[tilespmem:$0x18100] =	vst v63  }
0x14: {  	_ = 	snop  }
0x15: {  	[tilespmem:s12], [sflag:$0x2] =	stream.linear.gather [hbm4b:s5+s2], $0x8000, $0x38;
	[tilespmem:$0x18100] =	vst v63  }
0x16: {  	_ =	swait.ge [sflag:s8], $0x8000  }
0x17: {  	[sflag:s8] =	ssyncset.done $0x0  }
0x18: {  	[sflag:s8] =	ssyncadd.s32 $0xFFFF8000  }
0x19: {  	_ =	swait.ge [sflag:s13], $0x4000  }
0x1a: {  	[sflag:s13] =	ssyncset.done $0x0  }
0x1b: {  	[sflag:s13] =	ssyncadd.s32 $0xFFFFC000  }
0x1c: {  	_ =	swait.ge [sflag:s13], $0x4000  }
0x1d: {  	[sflag:s13] =	ssyncset.done $0x0  }
0x1e: {  	s16 =	simm.s32 $0x0;
	[sflag:s13] =	ssyncadd.s32 $0xFFFFC000  }
0x1f: {  	v0 =	vld [tilespmem:s16+$0x290]  }
0x20: {  	v1 =	vld [tilespmem:s16+$0x8290]  }
0x21: {  	v2 =	vld [tilespmem:s16+$0x100]  }
0x22: {  	v3 =	vld [tilespmem:s16+$0x8100]  }
0x23: {  	v4 =	vld [tilespmem:s16+$0x110]  }
0x24: {  	v5 =	vld [tilespmem:s16+$0x8110]  }
0x25: {  	v6 =	vld [tilespmem:s16+$0x180];
	v0 =	vsub.f32 v0, v1  }
0x26: {  	v7 =	vld [tilespmem:s16+$0x8180]  }
0x27: {  	v8 =	vld [tilespmem:s16+$0x190];
	v2 =	vsub.f32 v2, v3;
	v0 =	vadd.f32 v0, v1  }
0x28: {  	v9 =	vld [tilespmem:s16+$0x8190]  }
0x29: {  	v10 =	vld [tilespmem:s16+$0x200];
	v2 =	vadd.f32 v2, v3;
	[tilespmem:s16+$0x10290] =	vst v0;
	v0 =	vsub.f32 v4, v5  }
0x2a: {  	v1 =	vld [tilespmem:s16+$0x8200]  }
0x2b: {  	[tilespmem:s16+$0x10100] =	vst v2;
	v4 =	vsub.f32 v6, v7;
	v2 =	vadd.f32 v0, v5;
	v5 =	vld [tilespmem:s16+$0x210]  }
0x2c: {  	v0 =	vld [tilespmem:s16+$0x8210]  }
0x2d: {  	v3 =	vld [tilespmem:s16+$0x280];
	v6 =	vadd.f32 v4, v7;
	v7 =	vsub.f32 v8, v9  }
0x2e: {  	s17 =	simm.s32 $0x200;
	[tilespmem:s16+$0x10110] =	vst v2;
	v2 =	vld [tilespmem:s16+$0x8280]  }
0x2f: {  	s18 =	simm.s32 $0x1000;
	v4 =	vld [tilespmem:s17+$0x290];
	[tilespmem:s16+$0x10180] =	vst v6;
	v6 =	vadd.f32 v7, v9;
	v7 =	vsub.f32 v10, v1  }
.LBB2_2:
0x30: {  	p0 =	sne.s32 s18, $0x1F800;
	v8 =	vld [tilespmem:s17+$0x8290]  }
0x31: {  	v9 =	vld [tilespmem:s17+$0x100];
	[tilespmem:s16+$0x10190] =	vst v6;
	v1 =	vadd.f32 v7, v1;
	v5 =	vsub.f32 v5, v0  }
0x32: {  	v6 =	vld [tilespmem:s17+$0x8100]  }
0x33: {  	v7 =	vld [tilespmem:s17+$0x110];
	[tilespmem:s16+$0x10200] =	vst v1;
	v0 =	vadd.f32 v5, v0;
	v1 =	vsub.f32 v3, v2  }
0x34: {  	v3 =	vld [tilespmem:s17+$0x8110]  }
0x35: {  	v5 =	vld [tilespmem:s17+$0x180];
	v4 =	vsub.f32 v4, v8;
	[tilespmem:s16+$0x10210] =	vst v0;
	v0 =	vadd.f32 v1, v2  }
0x36: {  	v2 =	vld [tilespmem:s17+$0x8180]  }
0x37: {  	v1 =	vsub.f32 v9, v6;
	v9 =	vld [tilespmem:s17+$0x190];
	v4 =	vadd.f32 v4, v8;
	[tilespmem:s16+$0x10280] =	vst v0;
	s16 =	smov.u32 s17  }
0x38: {  	v8 =	vld [tilespmem:s16+$0x8190]  }
0x39: {  	v0 =	vadd.f32 v1, v6;
	v6 =	vsub.f32 v7, v3;
	v7 =	vld [tilespmem:s16+$0x200];
	[tilespmem:s16+$0x10290] =	vst v4  }
0x3a: {  	v1 =	vld [tilespmem:s16+$0x8200]  }
.Ltmp0:
0x3b: {  	[tilespmem:s16+$0x10100] =	vst v0;
	v3 =	vadd.f32 v6, v3;
	v4 =	vsub.f32 v5, v2;
	v5 =	vld [tilespmem:s16+$0x210];
	(pc) =	sbr.rel @p0 .LBB2_2-.Ltmp0, $4  }
0x3c: {  	v0 =	vld [tilespmem:s16+$0x8210]  }
0x3d: {  	[tilespmem:s16+$0x10110] =	vst v3;
	v6 =	vadd.f32 v4, v2;
	v9 =	vsub.f32 v9, v8;
	v3 =	vld [tilespmem:s16+$0x280]  }
0x3e: {  	s17 =	sshra.s32 s18, $0x2;
	v2 =	vld [tilespmem:s16+$0x8280]  }
0x3f: {  	s18 =	sadd.s32 $0x800, s18;
	v4 =	vld [tilespmem:s17+$0x290];
	[tilespmem:s16+$0x10180] =	vst v6;
	v6 =	vadd.f32 v9, v8;
	v7 =	vsub.f32 v7, v1  }
0x40: {  	v8 =	vld [tilespmem:s17+$0x8290]  }
0x41: {  	v9 =	vld [tilespmem:s17+$0x100];
	[tilespmem:s16+$0x10190] =	vst v6;
	v1 =	vadd.f32 v7, v1;
	v5 =	vsub.f32 v5, v0  }
0x42: {  	v6 =	vld [tilespmem:s17+$0x8100]  }
0x43: {  	v46 =	vld [tilespmem:s17+$0x110];
	[tilespmem:s16+$0x10200] =	vst v1;
	v0 =	vadd.f32 v5, v0;
	v3 =	vsub.f32 v3, v2  }
0x44: {  	v1 =	vld [tilespmem:s17+$0x8110]  }
0x45: {  	v47 =	vld [tilespmem:s17+$0x180];
	[tilespmem:s16+$0x10210] =	vst v0;
	v48 =	vadd.f32 v3, v2  }
0x46: {  	v49 =	vld [tilespmem:s17+$0x8180]  }
0x47: {  	v51 =	vld [tilespmem:s17+$0x190];
	[tilespmem:s16+$0x10280] =	vst v48  }
0x48: {  	v53 =	vld [tilespmem:s17+$0x8190]  }
0x49: {  	v54 =	vld [tilespmem:s17+$0x200]  }
0x4a: {  	v56 =	vld [tilespmem:s17+$0x8200]  }
0x4b: {  	v58 =	vld [tilespmem:s17+$0x210]  }
0x4c: {  	v50 =	vsub.f32 v4, v8;
	v59 =	vld [tilespmem:s17+$0x8210]  }
0x4d: {  	v52 =	vsub.f32 v9, v6;
	v60 =	vld [tilespmem:s17+$0x280]  }
0x4e: {  	v3 =	vadd.f32 v50, v8;
	v61 =	vld [tilespmem:s17+$0x8280];
	v55 =	vsub.f32 v46, v1  }
0x4f: {  	v0 =	vadd.f32 v52, v6;
	v5 =	vsub.f32 v47, v49  }
0x50: {  	[tilespmem:s17+$0x10290] =	vst v3;
	v57 =	vadd.f32 v55, v1;
	v4 =	vsub.f32 v51, v53  }
0x51: {  	[tilespmem:s17+$0x10100] =	vst v0;
	v2 =	vadd.f32 v5, v49;
	v62 =	vsub.f32 v54, v56  }
0x52: {  	[tilespmem:s17+$0x10110] =	vst v57;
	v1 =	vsub.f32 v58, v59;
	v4 =	vadd.f32 v4, v53  }
0x53: {  	v0 =	vsub.f32 v60, v61;
	[tilespmem:s17+$0x10180] =	vst v2;
	v63 =	vadd.f32 v62, v56  }
0x54: {  	v1 =	vadd.f32 v1, v59;
	[tilespmem:s17+$0x10190] =	vst v4  }
0x55: {  	s15 =	sadd.s32 $0x1, s15;
	v0 =	vadd.f32 v0, v61;
	[tilespmem:s17+$0x10200] =	vst v63  }
0x56: {  	p0 =	sne.s32 s15, s7;
	[tilespmem:s17+$0x10210] =	vst v1  }
.Ltmp1:
0x57: {  	[tilespmem:s17+$0x10280] =	vst v0;
	(pc) =	sbr.rel @p0 .LBB2_1-.Ltmp1, $4  }
0x58: {  	[hbm4b:s6+s2] =	stream.linear.scatter [tilespmem:s14], [sflag:$0x2], $0x8000, $0x38;
	[tilespmem:$0x18100] =	vst v63  }
0x59: {  	_ =	swait.ge [sflag:s8], $0x8000  }
0x5a: {  	[sflag:s8] =	ssyncset.done $0x0  }
0x5b: {  	[sflag:s8] =	ssyncadd.s32 $0xFFFF8000  }
0x5c: {  	_ =	sfence.sel $0x180000  }
0x5d: {  	[bflag:$0x0] =	sbarrier.arrive $0xFFFF  }
0x5e: {  	p0 =	sne.s32 s1, $0x0;
	_ =	strace $0x90000047  }
0x5f: {  	s0 =	sadd.s32 @!p0 $0x100000, s0;
	[bflag:$0x2] =	sbarrier.arrive $0xFFFF  }
0x60: {  	[sflag:s0] =	ssyncadd.tile.s32 @!p0 $0x1;
	_ =	shalt  }
.Lfunc_end2:
_tile_overlayer_lowered:
.L_overlay_start_2:
0x61: {  	(tag) =	ssettag $0x2  }
0x62: {  	s0 =	rddreg [dreg:$0x0];
	s2 =	stileid.u32  }
0x63: {  	s1 =	rddreg [dreg:$0x1];
	p0 =	sne.s32 s2, $0x0  }
0x64: {  	s3 =	rddreg [dreg:$0x2];
	[bflag:$0x3] =	sbarrier.arrive $0xFFFF;
	s2 =	simm.s32 @!p0 $0x1C02  }
0x65: {  	[timem:s3], [sflag:s2] =	dma.local @!p0 [hbm:s0], s1  }
0x66: {  	s0 =	simm.s32 @!p0 $0x2  }
0x67: {  	_ =	swait.ge @!p0 [sflag:s0], s1  }
0x68: {  	s1 =	ssub.s32 @!p0 $0x0, s1;
	[sflag:s0] =	ssyncset.done @!p0 $0x0  }
0x69: {  	[sflag:s0] =	ssyncadd.s32 @!p0 s1  }
0x6a: {  	[bflag:$0x3] =	sbarrier.arrive $0xFFFF  }
0x6b: {  	_ =	shalt  }

</sc_bundles>
